<compile_context>
chip_gen: v7x
topology: tpu7x:2x2x1
jax: 0.10.2.dev20260603
libtpu: 0.0.44.dev20260713+nightly
codegen_flags: <defaults>
</compile_context>

<pallas_src>
import functools

import jax
import jax.numpy as jnp
from jax import lax
from jax.experimental import pallas as pl
from jax.experimental.pallas import tpu as pltpu
from jax.experimental.pallas import tpu_sc as plsc

_NE = 64
_EPS = 1e-6
_TILE = 4096

_NW = 32
_TPW = 1024
_ZCHUNK = 4096


def _pass1_body(x_ref, w_ref, b_ref, v_ref, e_ref, r_ref, dacc_ref, *,
                num_tiles, capacity):
    i = pl.program_id(0)
    lt = jax.lax.dot_general(
        w_ref[...], x_ref[...], (((1,), (1,)), ((), ())),
        preferred_element_type=jnp.float32)
    lt = lt + b_ref[...]
    m = jnp.max(lt, axis=0, keepdims=True)
    s = jnp.sum(jnp.exp(lt - m), axis=0, keepdims=True)
    v = 1.0 / s
    iota = jax.lax.broadcasted_iota(jnp.int32, (_NE, _TILE), 0)
    e = jnp.min(jnp.where(lt == m, iota, _NE), axis=0, keepdims=True)
    v_ref[0, 0, :] = v[0]
    e_ref[0, 0, :] = e[0]
    contrib = jnp.where(iota == e, v, 0.0)

    @pl.when(i == 0)
    def _():
        dacc_ref[...] = jnp.zeros_like(dacc_ref)

    dacc_ref[...] += contrib

    @pl.when(i == num_tiles - 1)
    def _():
        denom = jnp.sum(dacc_ref[...], axis=1) + _EPS
        r_ref[0, :] = capacity / denom


def _sc_scatter_body(v_hbm, e_hbm, r_hbm, out_hbm,
                     v_v, e_v, rv_v, idx_v, val_v, zbuf, sem_z, sem_s):
    wid = lax.axis_index("s") * 2 + lax.axis_index("c")
    base = wid * _TPW
    pltpu.sync_copy(v_hbm.at[pl.ds(base, _TPW)], v_v)
    pltpu.sync_copy(e_hbm.at[pl.ds(base, _TPW)], e_v)
    pltpu.async_copy(r_hbm.at[e_v], rv_v, sem_s).wait()

    def _zero(i, carry):
        zbuf[pl.ds(i * 16, 16)] = jnp.zeros((16,), jnp.float32)
        return carry

    lax.fori_loop(0, _ZCHUNK // 16, _zero, 0, unroll=4)

    zcopies = [
        pltpu.make_async_copy(
            zbuf, out_hbm.at[pl.ds(base * _NE + k * _ZCHUNK, _ZCHUNK)], sem_z)
        for k in range(_TPW * _NE // _ZCHUNK)
    ]
    for c in zcopies:
        c.start()

    lanes = lax.iota(jnp.int32, 16) * _NE

    def _build(i, carry):
        sl = pl.ds(i * 16, 16)
        idx_v[sl] = (base + i * 16) * _NE + lanes + e_v[sl]
        val_v[sl] = v_v[sl] * rv_v[sl]
        return carry

    lax.fori_loop(0, _TPW // 16, _build, 0)

    for c in zcopies:
        c.wait()
    pltpu.async_copy(val_v, out_hbm.at[idx_v], sem_s).wait()


def kernel(x, w_gate, b_gate):
    n, dim = x.shape
    ne = w_gate.shape[0]
    capacity = float(n)
    num_tiles = n // _TILE
    b2 = b_gate.reshape(ne, 1)

    v3, e3, recip = pl.pallas_call(
        functools.partial(_pass1_body, num_tiles=num_tiles,
                          capacity=capacity),
        grid=(num_tiles,),
        in_specs=[
            pl.BlockSpec((_TILE, dim), lambda i: (i, 0)),
            pl.BlockSpec((ne, dim), lambda i: (0, 0)),
            pl.BlockSpec((ne, 1), lambda i: (0, 0)),
        ],
        out_specs=[
            pl.BlockSpec((1, 1, _TILE), lambda i: (i, 0, 0)),
            pl.BlockSpec((1, 1, _TILE), lambda i: (i, 0, 0)),
            pl.BlockSpec((1, ne), lambda i: (0, 0)),
        ],
        out_shape=[
            jax.ShapeDtypeStruct((num_tiles, 1, _TILE), jnp.float32),
            jax.ShapeDtypeStruct((num_tiles, 1, _TILE), jnp.int32),
            jax.ShapeDtypeStruct((1, ne), jnp.float32),
        ],
        scratch_shapes=[pltpu.VMEM((_NE, _TILE), jnp.float32)],
        compiler_params=pltpu.CompilerParams(
            dimension_semantics=("arbitrary",)),
    )(x, w_gate, b2)

    sc_kernel = functools.partial(
        pl.kernel,
        out_type=jax.ShapeDtypeStruct((n * ne,), jnp.float32),
        mesh=plsc.VectorSubcoreMesh(core_axis_name="c", subcore_axis_name="s"),
        scratch_types=[
            pltpu.VMEM((_TPW,), jnp.float32),
            pltpu.VMEM((_TPW,), jnp.int32),
            pltpu.VMEM((_TPW,), jnp.float32),
            pltpu.VMEM((_TPW,), jnp.int32),
            pltpu.VMEM((_TPW,), jnp.float32),
            pltpu.VMEM((_ZCHUNK,), jnp.float32),
            pltpu.SemaphoreType.DMA,
            pltpu.SemaphoreType.DMA,
        ],
    )(_sc_scatter_body)
    out_flat = sc_kernel(v3.reshape(n), e3.reshape(n), recip.reshape(ne))
    return out_flat.reshape(n, ne)

# --- scband reference (transcript-rebuilt; emitter-appended) ---
"""Pipeline reference for scband-switch-gate-20323785244714 (READ-ONLY COPY).

The authoritative reference and input builder live on the scoring server;
editing this copy changes nothing except your own understanding.
"""

import jax, jax.numpy as jnp
import numpy as np

DIM = 768
NUM_EXPERTS = 64
TOP_K = 1
CAPACITY_FACTOR = 1.0
EPSILON = 1e-06


def setup_inputs(seed: int = 0) -> dict:
    key = jax.random.key(seed)
    k1, k2, k3 = jax.random.split(key, 3)
    x = jax.random.normal(k1, (32768, DIM), dtype=jnp.float32)
    # nn.Linear(dim, num_experts): weight [num_experts, dim], bias [num_experts]
    bound = 1.0 / np.sqrt(DIM)
    w_gate = jax.random.uniform(k2, (NUM_EXPERTS, DIM), dtype=jnp.float32, minval=-bound, maxval=bound)
    b_gate = jax.random.uniform(k3, (NUM_EXPERTS,), dtype=jnp.float32, minval=-bound, maxval=bound)
    return {"x": x, "w_gate": w_gate, "b_gate": b_gate}


def reference(x, w_gate, b_gate):
    logits = x @ w_gate.T + b_gate
    gate_scores = jax.nn.softmax(logits, axis=-1)
    capacity = int(CAPACITY_FACTOR * x.shape[0])
    top_k_scores, top_k_indices = jax.lax.top_k(gate_scores, TOP_K)
    n = gate_scores.shape[0]
    mask = jnp.zeros_like(gate_scores).at[jnp.arange(n)[:, None], top_k_indices].set(1.0)
    masked_gate_scores = gate_scores * mask
    denominators = jnp.sum(masked_gate_scores, axis=0, keepdims=True) + EPSILON
    out = masked_gate_scores / denominators * capacity
    return out

if __name__ == "__main__":
    import jax
    _d = setup_inputs()
    print(jax.jit(kernel)(*tuple(_d.values())))

</pallas_src>

<mosaic_0001>
#map = affine_map<(d0, d1) -> (0)>
module attributes {stable_mosaic.version = 14 : i64} {
  func.func @_sc_scatter_body(%arg0: i32, %arg1: i32, %arg2: memref<32768xf32, #tpu.memory_space<hbm>>, %arg3: memref<32768xi32, #tpu.memory_space<hbm>>, %arg4: memref<64xf32, #tpu.memory_space<hbm>>, %arg5: memref<2097152xf32, #tpu.memory_space<hbm>>, %arg6: memref<1024xf32, #tpu.memory_space<vmem>>, %arg7: memref<1024xi32, #tpu.memory_space<vmem>>, %arg8: memref<1024xf32, #tpu.memory_space<vmem>>, %arg9: memref<1024xi32, #tpu.memory_space<vmem>>, %arg10: memref<1024xf32, #tpu.memory_space<vmem>>, %arg11: memref<4096xf32, #tpu.memory_space<vmem>>, %arg12: memref<!tpu.dma_semaphore, #tpu.memory_space<semaphore_mem>>, %arg13: memref<!tpu.dma_semaphore, #tpu.memory_space<semaphore_mem>>) attributes {dimension_semantics = [#tpu.dimension_semantics<core_parallel>, #tpu.dimension_semantics<subcore_parallel>], iteration_bounds = array<i64: 2, 16>, scalar_prefetch = 0 : i64, scratch_operands = 8 : i64, tpu.core_type = #tpu.core_type<sc_vector_subcore>, window_params = [{transform_indices = #map}, {transform_indices = #map}, {transform_indices = #map}, {transform_indices = #map}]} {
    %mul3A = arith.constant 2 : i32
    %mul3A_0 = arith.muli %arg1, %mul3A : i32
    %add3A = arith.addi %mul3A_0, %arg0 : i32
    %mul3A_1 = arith.constant 1024 : i32
    %mul3A_2 = arith.muli %add3A, %mul3A_1 : i32
    "tpu.region"() ({
      %run_scoped3A = tpu.sem_alloc : memref<!tpu.dma_semaphore, #tpu.memory_space<semaphore_mem>>
      %dma_start3A_151 = tpu.memref_slice %arg2[%mul3A_2] : memref<32768xf32, #tpu.memory_space<hbm>> -> memref<1024xf32, #tpu.memory_space<hbm>>
      %dma_start3A_152 = tpu.memref_slice %arg2[%mul3A_2] : memref<32768xf32, #tpu.memory_space<hbm>> -> memref<1024xf32, #tpu.memory_space<hbm>>
      tpu.enqueue_dma source(%dma_start3A_152 : memref<1024xf32, #tpu.memory_space<hbm>>) target(%arg6 : memref<1024xf32, #tpu.memory_space<vmem>>) target_semaphore(%run_scoped3A : memref<!tpu.dma_semaphore, #tpu.memory_space<semaphore_mem>>)
      %dma_wait3A_153 = tpu.memref_slice %arg2[%mul3A_2] : memref<32768xf32, #tpu.memory_space<hbm>> -> memref<1024xf32, #tpu.memory_space<hbm>>
      %dma_wait3A_154 = tpu.memref_slice %arg2[%mul3A_2] : memref<32768xf32, #tpu.memory_space<hbm>> -> memref<1024xf32, #tpu.memory_space<hbm>>
      tpu.wait_dma2 semaphore(%run_scoped3A : memref<!tpu.dma_semaphore, #tpu.memory_space<semaphore_mem>>) src(%dma_wait3A_154 : memref<1024xf32, #tpu.memory_space<hbm>>) dst(%arg6 : memref<1024xf32, #tpu.memory_space<vmem>>)
      tpu.yield
    }) : () -> ()
    "tpu.region"() ({
      %run_scoped3A = tpu.sem_alloc : memref<!tpu.dma_semaphore, #tpu.memory_space<semaphore_mem>>
      %dma_start3A_151 = tpu.memref_slice %arg3[%mul3A_2] : memref<32768xi32, #tpu.memory_space<hbm>> -> memref<1024xi32, #tpu.memory_space<hbm>>
      %dma_start3A_152 = tpu.memref_slice %arg3[%mul3A_2] : memref<32768xi32, #tpu.memory_space<hbm>> -> memref<1024xi32, #tpu.memory_space<hbm>>
      tpu.enqueue_dma source(%dma_start3A_152 : memref<1024xi32, #tpu.memory_space<hbm>>) target(%arg7 : memref<1024xi32, #tpu.memory_space<vmem>>) target_semaphore(%run_scoped3A : memref<!tpu.dma_semaphore, #tpu.memory_space<semaphore_mem>>)
      %dma_wait3A_153 = tpu.memref_slice %arg3[%mul3A_2] : memref<32768xi32, #tpu.memory_space<hbm>> -> memref<1024xi32, #tpu.memory_space<hbm>>
      %dma_wait3A_154 = tpu.memref_slice %arg3[%mul3A_2] : memref<32768xi32, #tpu.memory_space<hbm>> -> memref<1024xi32, #tpu.memory_space<hbm>>
      tpu.wait_dma2 semaphore(%run_scoped3A : memref<!tpu.dma_semaphore, #tpu.memory_space<semaphore_mem>>) src(%dma_wait3A_154 : memref<1024xi32, #tpu.memory_space<hbm>>) dst(%arg7 : memref<1024xi32, #tpu.memory_space<vmem>>)
      tpu.yield
    }) : () -> ()
    %dma_start3A = arith.constant 0 : i32
    %dma_start3A_3 = tpu.memref_slice %arg4[%dma_start3A] : memref<64xf32, #tpu.memory_space<hbm>> -> memref<64xf32, #tpu.memory_space<hbm>>
    tpu.enqueue_indirect_dma source(%dma_start3A_3 : memref<64xf32, #tpu.memory_space<hbm>>) target(%arg8 : memref<1024xf32, #tpu.memory_space<vmem>>) offsets(%arg7 : memref<1024xi32, #tpu.memory_space<vmem>>) semaphore(%arg13 : memref<!tpu.dma_semaphore, #tpu.memory_space<semaphore_mem>>)
    %dma_wait3A = arith.constant 0 : i32
    %dma_wait3A_4 = tpu.memref_slice %arg4[%dma_wait3A] : memref<64xf32, #tpu.memory_space<hbm>> -> memref<64xf32, #tpu.memory_space<hbm>>
    tpu.wait_indirect_dma semaphore(%arg13 : memref<!tpu.dma_semaphore, #tpu.memory_space<semaphore_mem>>) src(%dma_wait3A_4 : memref<64xf32, #tpu.memory_space<hbm>>) dst(%arg8 : memref<1024xf32, #tpu.memory_space<vmem>>)
    %scan3A = arith.constant 0 : i32
    %scan3A_5 = arith.constant 0 : i32
    %scan3A_6 = arith.constant 256 : i32
    %scan3A_7 = arith.addi %scan3A_5, %scan3A_6 : i32
    %scan3A_8 = arith.constant 4 : i32
    scf.for %scan3A_151 = %scan3A_5 to %scan3A_7 step %scan3A_8  : i32 {
      %broadcast_in_dim3A = arith.constant 0.000000e+00 : f32
      %broadcast_in_dim3A_152 = vector.broadcast %broadcast_in_dim3A : f32 to vector<16xf32>
      %mul3A_153 = arith.constant 16 : i32
      %mul3A_154 = arith.muli %scan3A_151, %mul3A_153 : i32
      %swap3A = arith.index_cast %mul3A_154 : i32 to index
      %swap3A_155 = tpu.vector_load %arg11[%swap3A] {strides = array<i32>} : memref<4096xf32, #tpu.memory_space<vmem>>, vector<16xf32>,
      %swap3A_156 = vector.shape_cast %swap3A_155 : vector<16xf32> to vector<16xf32>
      %swap3A_157 = vector.shape_cast %broadcast_in_dim3A_152 : vector<16xf32> to vector<16xf32>
      tpu.vector_store %arg11[%swap3A], %swap3A_157 {strides = array<i32>} : memref<4096xf32, #tpu.memory_space<vmem>>, vector<16xf32>,
      %scan3A_158 = arith.constant 1 : i32
      %scan3A_159 = arith.addi %scan3A_151, %scan3A_158 : i32
      %broadcast_in_dim3A_160 = arith.constant 0.000000e+00 : f32
      %broadcast_in_dim3A_161 = vector.broadcast %broadcast_in_dim3A_160 : f32 to vector<16xf32>
      %mul3A_162 = arith.constant 16 : i32
      %mul3A_163 = arith.muli %scan3A_159, %mul3A_162 : i32
      %swap3A_164 = arith.index_cast %mul3A_163 : i32 to index
      %swap3A_165 = tpu.vector_load %arg11[%swap3A_164] {strides = array<i32>} : memref<4096xf32, #tpu.memory_space<vmem>>, vector<16xf32>,
      %swap3A_166 = vector.shape_cast %swap3A_165 : vector<16xf32> to vector<16xf32>
      %swap3A_167 = vector.shape_cast %broadcast_in_dim3A_161 : vector<16xf32> to vector<16xf32>
      tpu.vector_store %arg11[%swap3A_164], %swap3A_167 {strides = array<i32>} : memref<4096xf32, #tpu.memory_space<vmem>>, vector<16xf32>,
      %scan3A_168 = arith.constant 2 : i32
      %scan3A_169 = arith.addi %scan3A_151, %scan3A_168 : i32
      %broadcast_in_dim3A_170 = arith.constant 0.000000e+00 : f32
      %broadcast_in_dim3A_171 = vector.broadcast %broadcast_in_dim3A_170 : f32 to vector<16xf32>
      %mul3A_172 = arith.constant 16 : i32
      %mul3A_173 = arith.muli %scan3A_169, %mul3A_172 : i32
      %swap3A_174 = arith.index_cast %mul3A_173 : i32 to index
      %swap3A_175 = tpu.vector_load %arg11[%swap3A_174] {strides = array<i32>} : memref<4096xf32, #tpu.memory_space<vmem>>, vector<16xf32>,
      %swap3A_176 = vector.shape_cast %swap3A_175 : vector<16xf32> to vector<16xf32>
      %swap3A_177 = vector.shape_cast %broadcast_in_dim3A_171 : vector<16xf32> to vector<16xf32>
      tpu.vector_store %arg11[%swap3A_174], %swap3A_177 {strides = array<i32>} : memref<4096xf32, #tpu.memory_space<vmem>>, vector<16xf32>,
      %scan3A_178 = arith.constant 3 : i32
      %scan3A_179 = arith.addi %scan3A_151, %scan3A_178 : i32
      %broadcast_in_dim3A_180 = arith.constant 0.000000e+00 : f32
      %broadcast_in_dim3A_181 = vector.broadcast %broadcast_in_dim3A_180 : f32 to vector<16xf32>
      %mul3A_182 = arith.constant 16 : i32
      %mul3A_183 = arith.muli %scan3A_179, %mul3A_182 : i32
      %swap3A_184 = arith.index_cast %mul3A_183 : i32 to index
      %swap3A_185 = tpu.vector_load %arg11[%swap3A_184] {strides = array<i32>} : memref<4096xf32, #tpu.memory_space<vmem>>, vector<16xf32>,
      %swap3A_186 = vector.shape_cast %swap3A_185 : vector<16xf32> to vector<16xf32>
      %swap3A_187 = vector.shape_cast %broadcast_in_dim3A_181 : vector<16xf32> to vector<16xf32>
      tpu.vector_store %arg11[%swap3A_184], %swap3A_187 {strides = array<i32>} : memref<4096xf32, #tpu.memory_space<vmem>>, vector<16xf32>,
    }
    %scan3A_9 = arith.constant 256 : i32
    %mul3A_10 = arith.constant 64 : i32
    %mul3A_11 = arith.muli %mul3A_2, %mul3A_10 : i32
    %add3A_12 = arith.constant 0 : i32
    %add3A_13 = arith.addi %mul3A_11, %add3A_12 : i32
    %mul3A_14 = arith.constant 64 : i32
    %mul3A_15 = arith.muli %mul3A_2, %mul3A_14 : i32
    %add3A_16 = arith.constant 4096 : i32
    %add3A_17 = arith.addi %mul3A_15, %add3A_16 : i32
    %mul3A_18 = arith.constant 64 : i32
    %mul3A_19 = arith.muli %mul3A_2, %mul3A_18 : i32
    %add3A_20 = arith.constant 8192 : i32
    %add3A_21 = arith.addi %mul3A_19, %add3A_20 : i32
    %mul3A_22 = arith.constant 64 : i32
    %mul3A_23 = arith.muli %mul3A_2, %mul3A_22 : i32
    %add3A_24 = arith.constant 12288 : i32
    %add3A_25 = arith.addi %mul3A_23, %add3A_24 : i32
    %mul3A_26 = arith.constant 64 : i32
    %mul3A_27 = arith.muli %mul3A_2, %mul3A_26 : i32
    %add3A_28 = arith.constant 16384 : i32
    %add3A_29 = arith.addi %mul3A_27, %add3A_28 : i32
    %mul3A_30 = arith.constant 64 : i32
    %mul3A_31 = arith.muli %mul3A_2, %mul3A_30 : i32
    %add3A_32 = arith.constant 20480 : i32
    %add3A_33 = arith.addi %mul3A_31, %add3A_32 : i32
    %mul3A_34 = arith.constant 64 : i32
    %mul3A_35 = arith.muli %mul3A_2, %mul3A_34 : i32
    %add3A_36 = arith.constant 24576 : i32
    %add3A_37 = arith.addi %mul3A_35, %add3A_36 : i32
    %mul3A_38 = arith.constant 64 : i32
    %mul3A_39 = arith.muli %mul3A_2, %mul3A_38 : i32
    %add3A_40 = arith.constant 28672 : i32
    %add3A_41 = arith.addi %mul3A_39, %add3A_40 : i32
    %mul3A_42 = arith.constant 64 : i32
    %mul3A_43 = arith.muli %mul3A_2, %mul3A_42 : i32
    %add3A_44 = arith.constant 32768 : i32
    %add3A_45 = arith.addi %mul3A_43, %add3A_44 : i32
    %mul3A_46 = arith.constant 64 : i32
    %mul3A_47 = arith.muli %mul3A_2, %mul3A_46 : i32
    %add3A_48 = arith.constant 36864 : i32
    %add3A_49 = arith.addi %mul3A_47, %add3A_48 : i32
    %mul3A_50 = arith.constant 64 : i32
    %mul3A_51 = arith.muli %mul3A_2, %mul3A_50 : i32
    %add3A_52 = arith.constant 40960 : i32
    %add3A_53 = arith.addi %mul3A_51, %add3A_52 : i32
    %mul3A_54 = arith.constant 64 : i32
    %mul3A_55 = arith.muli %mul3A_2, %mul3A_54 : i32
    %add3A_56 = arith.constant 45056 : i32
    %add3A_57 = arith.addi %mul3A_55, %add3A_56 : i32
    %mul3A_58 = arith.constant 64 : i32
    %mul3A_59 = arith.muli %mul3A_2, %mul3A_58 : i32
    %add3A_60 = arith.constant 49152 : i32
    %add3A_61 = arith.addi %mul3A_59, %add3A_60 : i32
    %mul3A_62 = arith.constant 64 : i32
    %mul3A_63 = arith.muli %mul3A_2, %mul3A_62 : i32
    %add3A_64 = arith.constant 53248 : i32
    %add3A_65 = arith.addi %mul3A_63, %add3A_64 : i32
    %mul3A_66 = arith.constant 64 : i32
    %mul3A_67 = arith.muli %mul3A_2, %mul3A_66 : i32
    %add3A_68 = arith.constant 57344 : i32
    %add3A_69 = arith.addi %mul3A_67, %add3A_68 : i32
    %mul3A_70 = arith.constant 64 : i32
    %mul3A_71 = arith.muli %mul3A_2, %mul3A_70 : i32
    %add3A_72 = arith.constant 61440 : i32
    %add3A_73 = arith.addi %mul3A_71, %add3A_72 : i32
    %dma_start3A_74 = tpu.memref_slice %arg5[%add3A_13] : memref<2097152xf32, #tpu.memory_space<hbm>> -> memref<4096xf32, #tpu.memory_space<hbm>>
    %dma_start3A_75 = tpu.memref_slice %arg5[%add3A_13] : memref<2097152xf32, #tpu.memory_space<hbm>> -> memref<4096xf32, #tpu.memory_space<hbm>>
    tpu.enqueue_dma source(%arg11 : memref<4096xf32, #tpu.memory_space<vmem>>) target(%dma_start3A_75 : memref<4096xf32, #tpu.memory_space<hbm>>) target_semaphore(%arg12 : memref<!tpu.dma_semaphore, #tpu.memory_space<semaphore_mem>>)
    %dma_start3A_76 = tpu.memref_slice %arg5[%add3A_17] : memref<2097152xf32, #tpu.memory_space<hbm>> -> memref<4096xf32, #tpu.memory_space<hbm>>
    %dma_start3A_77 = tpu.memref_slice %arg5[%add3A_17] : memref<2097152xf32, #tpu.memory_space<hbm>> -> memref<4096xf32, #tpu.memory_space<hbm>>
    tpu.enqueue_dma source(%arg11 : memref<4096xf32, #tpu.memory_space<vmem>>) target(%dma_start3A_77 : memref<4096xf32, #tpu.memory_space<hbm>>) target_semaphore(%arg12 : memref<!tpu.dma_semaphore, #tpu.memory_space<semaphore_mem>>)
    %dma_start3A_78 = tpu.memref_slice %arg5[%add3A_21] : memref<2097152xf32, #tpu.memory_space<hbm>> -> memref<4096xf32, #tpu.memory_space<hbm>>
    %dma_start3A_79 = tpu.memref_slice %arg5[%add3A_21] : memref<2097152xf32, #tpu.memory_space<hbm>> -> memref<4096xf32, #tpu.memory_space<hbm>>
    tpu.enqueue_dma source(%arg11 : memref<4096xf32, #tpu.memory_space<vmem>>) target(%dma_start3A_79 : memref<4096xf32, #tpu.memory_space<hbm>>) target_semaphore(%arg12 : memref<!tpu.dma_semaphore, #tpu.memory_space<semaphore_mem>>)
    %dma_start3A_80 = tpu.memref_slice %arg5[%add3A_25] : memref<2097152xf32, #tpu.memory_space<hbm>> -> memref<4096xf32, #tpu.memory_space<hbm>>
    %dma_start3A_81 = tpu.memref_slice %arg5[%add3A_25] : memref<2097152xf32, #tpu.memory_space<hbm>> -> memref<4096xf32, #tpu.memory_space<hbm>>
    tpu.enqueue_dma source(%arg11 : memref<4096xf32, #tpu.memory_space<vmem>>) target(%dma_start3A_81 : memref<4096xf32, #tpu.memory_space<hbm>>) target_semaphore(%arg12 : memref<!tpu.dma_semaphore, #tpu.memory_space<semaphore_mem>>)
    %dma_start3A_82 = tpu.memref_slice %arg5[%add3A_29] : memref<2097152xf32, #tpu.memory_space<hbm>> -> memref<4096xf32, #tpu.memory_space<hbm>>
    %dma_start3A_83 = tpu.memref_slice %arg5[%add3A_29] : memref<2097152xf32, #tpu.memory_space<hbm>> -> memref<4096xf32, #tpu.memory_space<hbm>>
    tpu.enqueue_dma source(%arg11 : memref<4096xf32, #tpu.memory_space<vmem>>) target(%dma_start3A_83 : memref<4096xf32, #tpu.memory_space<hbm>>) target_semaphore(%arg12 : memref<!tpu.dma_semaphore, #tpu.memory_space<semaphore_mem>>)
    %dma_start3A_84 = tpu.memref_slice %arg5[%add3A_33] : memref<2097152xf32, #tpu.memory_space<hbm>> -> memref<4096xf32, #tpu.memory_space<hbm>>
    %dma_start3A_85 = tpu.memref_slice %arg5[%add3A_33] : memref<2097152xf32, #tpu.memory_space<hbm>> -> memref<4096xf32, #tpu.memory_space<hbm>>
    tpu.enqueue_dma source(%arg11 : memref<4096xf32, #tpu.memory_space<vmem>>) target(%dma_start3A_85 : memref<4096xf32, #tpu.memory_space<hbm>>) target_semaphore(%arg12 : memref<!tpu.dma_semaphore, #tpu.memory_space<semaphore_mem>>)
    %dma_start3A_86 = tpu.memref_slice %arg5[%add3A_37] : memref<2097152xf32, #tpu.memory_space<hbm>> -> memref<4096xf32, #tpu.memory_space<hbm>>
    %dma_start3A_87 = tpu.memref_slice %arg5[%add3A_37] : memref<2097152xf32, #tpu.memory_space<hbm>> -> memref<4096xf32, #tpu.memory_space<hbm>>
    tpu.enqueue_dma source(%arg11 : memref<4096xf32, #tpu.memory_space<vmem>>) target(%dma_start3A_87 : memref<4096xf32, #tpu.memory_space<hbm>>) target_semaphore(%arg12 : memref<!tpu.dma_semaphore, #tpu.memory_space<semaphore_mem>>)
    %dma_start3A_88 = tpu.memref_slice %arg5[%add3A_41] : memref<2097152xf32, #tpu.memory_space<hbm>> -> memref<4096xf32, #tpu.memory_space<hbm>>
    %dma_start3A_89 = tpu.memref_slice %arg5[%add3A_41] : memref<2097152xf32, #tpu.memory_space<hbm>> -> memref<4096xf32, #tpu.memory_space<hbm>>
    tpu.enqueue_dma source(%arg11 : memref<4096xf32, #tpu.memory_space<vmem>>) target(%dma_start3A_89 : memref<4096xf32, #tpu.memory_space<hbm>>) target_semaphore(%arg12 : memref<!tpu.dma_semaphore, #tpu.memory_space<semaphore_mem>>)
    %dma_start3A_90 = tpu.memref_slice %arg5[%add3A_45] : memref<2097152xf32, #tpu.memory_space<hbm>> -> memref<4096xf32, #tpu.memory_space<hbm>>
    %dma_start3A_91 = tpu.memref_slice %arg5[%add3A_45] : memref<2097152xf32, #tpu.memory_space<hbm>> -> memref<4096xf32, #tpu.memory_space<hbm>>
    tpu.enqueue_dma source(%arg11 : memref<4096xf32, #tpu.memory_space<vmem>>) target(%dma_start3A_91 : memref<4096xf32, #tpu.memory_space<hbm>>) target_semaphore(%arg12 : memref<!tpu.dma_semaphore, #tpu.memory_space<semaphore_mem>>)
    %dma_start3A_92 = tpu.memref_slice %arg5[%add3A_49] : memref<2097152xf32, #tpu.memory_space<hbm>> -> memref<4096xf32, #tpu.memory_space<hbm>>
    %dma_start3A_93 = tpu.memref_slice %arg5[%add3A_49] : memref<2097152xf32, #tpu.memory_space<hbm>> -> memref<4096xf32, #tpu.memory_space<hbm>>
    tpu.enqueue_dma source(%arg11 : memref<4096xf32, #tpu.memory_space<vmem>>) target(%dma_start3A_93 : memref<4096xf32, #tpu.memory_space<hbm>>) target_semaphore(%arg12 : memref<!tpu.dma_semaphore, #tpu.memory_space<semaphore_mem>>)
    %dma_start3A_94 = tpu.memref_slice %arg5[%add3A_53] : memref<2097152xf32, #tpu.memory_space<hbm>> -> memref<4096xf32, #tpu.memory_space<hbm>>
    %dma_start3A_95 = tpu.memref_slice %arg5[%add3A_53] : memref<2097152xf32, #tpu.memory_space<hbm>> -> memref<4096xf32, #tpu.memory_space<hbm>>
    tpu.enqueue_dma source(%arg11 : memref<4096xf32, #tpu.memory_space<vmem>>) target(%dma_start3A_95 : memref<4096xf32, #tpu.memory_space<hbm>>) target_semaphore(%arg12 : memref<!tpu.dma_semaphore, #tpu.memory_space<semaphore_mem>>)
    %dma_start3A_96 = tpu.memref_slice %arg5[%add3A_57] : memref<2097152xf32, #tpu.memory_space<hbm>> -> memref<4096xf32, #tpu.memory_space<hbm>>
    %dma_start3A_97 = tpu.memref_slice %arg5[%add3A_57] : memref<2097152xf32, #tpu.memory_space<hbm>> -> memref<4096xf32, #tpu.memory_space<hbm>>
    tpu.enqueue_dma source(%arg11 : memref<4096xf32, #tpu.memory_space<vmem>>) target(%dma_start3A_97 : memref<4096xf32, #tpu.memory_space<hbm>>) target_semaphore(%arg12 : memref<!tpu.dma_semaphore, #tpu.memory_space<semaphore_mem>>)
    %dma_start3A_98 = tpu.memref_slice %arg5[%add3A_61] : memref<2097152xf32, #tpu.memory_space<hbm>> -> memref<4096xf32, #tpu.memory_space<hbm>>
    %dma_start3A_99 = tpu.memref_slice %arg5[%add3A_61] : memref<2097152xf32, #tpu.memory_space<hbm>> -> memref<4096xf32, #tpu.memory_space<hbm>>
    tpu.enqueue_dma source(%arg11 : memref<4096xf32, #tpu.memory_space<vmem>>) target(%dma_start3A_99 : memref<4096xf32, #tpu.memory_space<hbm>>) target_semaphore(%arg12 : memref<!tpu.dma_semaphore, #tpu.memory_space<semaphore_mem>>)
    %dma_start3A_100 = tpu.memref_slice %arg5[%add3A_65] : memref<2097152xf32, #tpu.memory_space<hbm>> -> memref<4096xf32, #tpu.memory_space<hbm>>
    %dma_start3A_101 = tpu.memref_slice %arg5[%add3A_65] : memref<2097152xf32, #tpu.memory_space<hbm>> -> memref<4096xf32, #tpu.memory_space<hbm>>
    tpu.enqueue_dma source(%arg11 : memref<4096xf32, #tpu.memory_space<vmem>>) target(%dma_start3A_101 : memref<4096xf32, #tpu.memory_space<hbm>>) target_semaphore(%arg12 : memref<!tpu.dma_semaphore, #tpu.memory_space<semaphore_mem>>)
    %dma_start3A_102 = tpu.memref_slice %arg5[%add3A_69] : memref<2097152xf32, #tpu.memory_space<hbm>> -> memref<4096xf32, #tpu.memory_space<hbm>>
    %dma_start3A_103 = tpu.memref_slice %arg5[%add3A_69] : memref<2097152xf32, #tpu.memory_space<hbm>> -> memref<4096xf32, #tpu.memory_space<hbm>>
    tpu.enqueue_dma source(%arg11 : memref<4096xf32, #tpu.memory_space<vmem>>) target(%dma_start3A_103 : memref<4096xf32, #tpu.memory_space<hbm>>) target_semaphore(%arg12 : memref<!tpu.dma_semaphore, #tpu.memory_space<semaphore_mem>>)
    %dma_start3A_104 = tpu.memref_slice %arg5[%add3A_73] : memref<2097152xf32, #tpu.memory_space<hbm>> -> memref<4096xf32, #tpu.memory_space<hbm>>
    %dma_start3A_105 = tpu.memref_slice %arg5[%add3A_73] : memref<2097152xf32, #tpu.memory_space<hbm>> -> memref<4096xf32, #tpu.memory_space<hbm>>
    tpu.enqueue_dma source(%arg11 : memref<4096xf32, #tpu.memory_space<vmem>>) target(%dma_start3A_105 : memref<4096xf32, #tpu.memory_space<hbm>>) target_semaphore(%arg12 : memref<!tpu.dma_semaphore, #tpu.memory_space<semaphore_mem>>)
    %iota3A = tpu.iota {dimensions = array<i32: 0>} : vector<16xi32>
    %mul3A_106 = arith.constant 64 : i32
    %mul3A_107 = vector.broadcast %mul3A_106 : i32 to vector<16xi32>
    %mul3A_108 = arith.muli %iota3A, %mul3A_107 : vector<16xi32>
    %scan3A_109 = arith.constant 0 : i32
    %scan3A_110 = arith.constant 0 : i32
    %scan3A_111 = arith.constant 64 : i32
    %scan3A_112 = arith.addi %scan3A_110, %scan3A_111 : i32
    %scan3A_113 = arith.constant 1 : i32
    scf.for %scan3A_151 = %scan3A_110 to %scan3A_112 step %scan3A_113  : i32 {
      %mul3A_152 = arith.constant 16 : i32
      %mul3A_153 = arith.muli %scan3A_151, %mul3A_152 : i32
      %mul3A_154 = arith.constant 16 : i32
      %mul3A_155 = arith.muli %scan3A_151, %mul3A_154 : i32
      %add3A_156 = arith.addi %mul3A_2, %mul3A_155 : i32
      %mul3A_157 = arith.constant 64 : i32
      %mul3A_158 = arith.muli %add3A_156, %mul3A_157 : i32
      %add3A_159 = vector.broadcast %mul3A_158 : i32 to vector<16xi32>
      %add3A_160 = arith.addi %add3A_159, %mul3A_108 : vector<16xi32>
      %get3A = arith.index_cast %mul3A_153 : i32 to index
      %get3A_161 = tpu.vector_load %arg7[%get3A] {strides = array<i32>} : memref<1024xi32, #tpu.memory_space<vmem>>, vector<16xi32>,
      %get3A_162 = vector.shape_cast %get3A_161 : vector<16xi32> to vector<16xi32>
      %add3A_163 = arith.addi %add3A_160, %get3A_162 : vector<16xi32>
      %swap3A = arith.index_cast %mul3A_153 : i32 to index
      %swap3A_164 = tpu.vector_load %arg9[%swap3A] {strides = array<i32>} : memref<1024xi32, #tpu.memory_space<vmem>>, vector<16xi32>,
      %swap3A_165 = vector.shape_cast %swap3A_164 : vector<16xi32> to vector<16xi32>
      %swap3A_166 = vector.shape_cast %add3A_163 : vector<16xi32> to vector<16xi32>
      tpu.vector_store %arg9[%swap3A], %swap3A_166 {strides = array<i32>} : memref<1024xi32, #tpu.memory_space<vmem>>, vector<16xi32>,
      %get3A_167 = arith.index_cast %mul3A_153 : i32 to index
      %get3A_168 = tpu.vector_load %arg6[%get3A_167] {strides = array<i32>} : memref<1024xf32, #tpu.memory_space<vmem>>, vector<16xf32>,
      %get3A_169 = vector.shape_cast %get3A_168 : vector<16xf32> to vector<16xf32>
      %get3A_170 = arith.index_cast %mul3A_153 : i32 to index
      %get3A_171 = tpu.vector_load %arg8[%get3A_170] {strides = array<i32>} : memref<1024xf32, #tpu.memory_space<vmem>>, vector<16xf32>,
      %get3A_172 = vector.shape_cast %get3A_171 : vector<16xf32> to vector<16xf32>
      %mul3A_173 = arith.mulf %get3A_169, %get3A_172 : vector<16xf32>
      %swap3A_174 = arith.index_cast %mul3A_153 : i32 to index
      %swap3A_175 = tpu.vector_load %arg10[%swap3A_174] {strides = array<i32>} : memref<1024xf32, #tpu.memory_space<vmem>>, vector<16xf32>,
      %swap3A_176 = vector.shape_cast %swap3A_175 : vector<16xf32> to vector<16xf32>
      %swap3A_177 = vector.shape_cast %mul3A_173 : vector<16xf32> to vector<16xf32>
      tpu.vector_store %arg10[%swap3A_174], %swap3A_177 {strides = array<i32>} : memref<1024xf32, #tpu.memory_space<vmem>>, vector<16xf32>,
    }
    %scan3A_114 = arith.constant 64 : i32
    %dma_wait3A_115 = tpu.memref_slice %arg5[%add3A_13] : memref<2097152xf32, #tpu.memory_space<hbm>> -> memref<4096xf32, #tpu.memory_space<hbm>>
    %dma_wait3A_116 = tpu.memref_slice %arg5[%add3A_13] : memref<2097152xf32, #tpu.memory_space<hbm>> -> memref<4096xf32, #tpu.memory_space<hbm>>
    tpu.wait_dma2 semaphore(%arg12 : memref<!tpu.dma_semaphore, #tpu.memory_space<semaphore_mem>>) src(%arg11 : memref<4096xf32, #tpu.memory_space<vmem>>) dst(%dma_wait3A_116 : memref<4096xf32, #tpu.memory_space<hbm>>)
    %dma_wait3A_117 = tpu.memref_slice %arg5[%add3A_17] : memref<2097152xf32, #tpu.memory_space<hbm>> -> memref<4096xf32, #tpu.memory_space<hbm>>
    %dma_wait3A_118 = tpu.memref_slice %arg5[%add3A_17] : memref<2097152xf32, #tpu.memory_space<hbm>> -> memref<4096xf32, #tpu.memory_space<hbm>>
    tpu.wait_dma2 semaphore(%arg12 : memref<!tpu.dma_semaphore, #tpu.memory_space<semaphore_mem>>) src(%arg11 : memref<4096xf32, #tpu.memory_space<vmem>>) dst(%dma_wait3A_118 : memref<4096xf32, #tpu.memory_space<hbm>>)
    %dma_wait3A_119 = tpu.memref_slice %arg5[%add3A_21] : memref<2097152xf32, #tpu.memory_space<hbm>> -> memref<4096xf32, #tpu.memory_space<hbm>>
    %dma_wait3A_120 = tpu.memref_slice %arg5[%add3A_21] : memref<2097152xf32, #tpu.memory_space<hbm>> -> memref<4096xf32, #tpu.memory_space<hbm>>
    tpu.wait_dma2 semaphore(%arg12 : memref<!tpu.dma_semaphore, #tpu.memory_space<semaphore_mem>>) src(%arg11 : memref<4096xf32, #tpu.memory_space<vmem>>) dst(%dma_wait3A_120 : memref<4096xf32, #tpu.memory_space<hbm>>)
    %dma_wait3A_121 = tpu.memref_slice %arg5[%add3A_25] : memref<2097152xf32, #tpu.memory_space<hbm>> -> memref<4096xf32, #tpu.memory_space<hbm>>
    %dma_wait3A_122 = tpu.memref_slice %arg5[%add3A_25] : memref<2097152xf32, #tpu.memory_space<hbm>> -> memref<4096xf32, #tpu.memory_space<hbm>>
    tpu.wait_dma2 semaphore(%arg12 : memref<!tpu.dma_semaphore, #tpu.memory_space<semaphore_mem>>) src(%arg11 : memref<4096xf32, #tpu.memory_space<vmem>>) dst(%dma_wait3A_122 : memref<4096xf32, #tpu.memory_space<hbm>>)
    %dma_wait3A_123 = tpu.memref_slice %arg5[%add3A_29] : memref<2097152xf32, #tpu.memory_space<hbm>> -> memref<4096xf32, #tpu.memory_space<hbm>>
    %dma_wait3A_124 = tpu.memref_slice %arg5[%add3A_29] : memref<2097152xf32, #tpu.memory_space<hbm>> -> memref<4096xf32, #tpu.memory_space<hbm>>
    tpu.wait_dma2 semaphore(%arg12 : memref<!tpu.dma_semaphore, #tpu.memory_space<semaphore_mem>>) src(%arg11 : memref<4096xf32, #tpu.memory_space<vmem>>) dst(%dma_wait3A_124 : memref<4096xf32, #tpu.memory_space<hbm>>)
    %dma_wait3A_125 = tpu.memref_slice %arg5[%add3A_33] : memref<2097152xf32, #tpu.memory_space<hbm>> -> memref<4096xf32, #tpu.memory_space<hbm>>
    %dma_wait3A_126 = tpu.memref_slice %arg5[%add3A_33] : memref<2097152xf32, #tpu.memory_space<hbm>> -> memref<4096xf32, #tpu.memory_space<hbm>>
    tpu.wait_dma2 semaphore(%arg12 : memref<!tpu.dma_semaphore, #tpu.memory_space<semaphore_mem>>) src(%arg11 : memref<4096xf32, #tpu.memory_space<vmem>>) dst(%dma_wait3A_126 : memref<4096xf32, #tpu.memory_space<hbm>>)
    %dma_wait3A_127 = tpu.memref_slice %arg5[%add3A_37] : memref<2097152xf32, #tpu.memory_space<hbm>> -> memref<4096xf32, #tpu.memory_space<hbm>>
    %dma_wait3A_128 = tpu.memref_slice %arg5[%add3A_37] : memref<2097152xf32, #tpu.memory_space<hbm>> -> memref<4096xf32, #tpu.memory_space<hbm>>
    tpu.wait_dma2 semaphore(%arg12 : memref<!tpu.dma_semaphore, #tpu.memory_space<semaphore_mem>>) src(%arg11 : memref<4096xf32, #tpu.memory_space<vmem>>) dst(%dma_wait3A_128 : memref<4096xf32, #tpu.memory_space<hbm>>)
    %dma_wait3A_129 = tpu.memref_slice %arg5[%add3A_41] : memref<2097152xf32, #tpu.memory_space<hbm>> -> memref<4096xf32, #tpu.memory_space<hbm>>
    %dma_wait3A_130 = tpu.memref_slice %arg5[%add3A_41] : memref<2097152xf32, #tpu.memory_space<hbm>> -> memref<4096xf32, #tpu.memory_space<hbm>>
    tpu.wait_dma2 semaphore(%arg12 : memref<!tpu.dma_semaphore, #tpu.memory_space<semaphore_mem>>) src(%arg11 : memref<4096xf32, #tpu.memory_space<vmem>>) dst(%dma_wait3A_130 : memref<4096xf32, #tpu.memory_space<hbm>>)
    %dma_wait3A_131 = tpu.memref_slice %arg5[%add3A_45] : memref<2097152xf32, #tpu.memory_space<hbm>> -> memref<4096xf32, #tpu.memory_space<hbm>>
    %dma_wait3A_132 = tpu.memref_slice %arg5[%add3A_45] : memref<2097152xf32, #tpu.memory_space<hbm>> -> memref<4096xf32, #tpu.memory_space<hbm>>
    tpu.wait_dma2 semaphore(%arg12 : memref<!tpu.dma_semaphore, #tpu.memory_space<semaphore_mem>>) src(%arg11 : memref<4096xf32, #tpu.memory_space<vmem>>) dst(%dma_wait3A_132 : memref<4096xf32, #tpu.memory_space<hbm>>)
    %dma_wait3A_133 = tpu.memref_slice %arg5[%add3A_49] : memref<2097152xf32, #tpu.memory_space<hbm>> -> memref<4096xf32, #tpu.memory_space<hbm>>
    %dma_wait3A_134 = tpu.memref_slice %arg5[%add3A_49] : memref<2097152xf32, #tpu.memory_space<hbm>> -> memref<4096xf32, #tpu.memory_space<hbm>>
    tpu.wait_dma2 semaphore(%arg12 : memref<!tpu.dma_semaphore, #tpu.memory_space<semaphore_mem>>) src(%arg11 : memref<4096xf32, #tpu.memory_space<vmem>>) dst(%dma_wait3A_134 : memref<4096xf32, #tpu.memory_space<hbm>>)
    %dma_wait3A_135 = tpu.memref_slice %arg5[%add3A_53] : memref<2097152xf32, #tpu.memory_space<hbm>> -> memref<4096xf32, #tpu.memory_space<hbm>>
    %dma_wait3A_136 = tpu.memref_slice %arg5[%add3A_53] : memref<2097152xf32, #tpu.memory_space<hbm>> -> memref<4096xf32, #tpu.memory_space<hbm>>
    tpu.wait_dma2 semaphore(%arg12 : memref<!tpu.dma_semaphore, #tpu.memory_space<semaphore_mem>>) src(%arg11 : memref<4096xf32, #tpu.memory_space<vmem>>) dst(%dma_wait3A_136 : memref<4096xf32, #tpu.memory_space<hbm>>)
    %dma_wait3A_137 = tpu.memref_slice %arg5[%add3A_57] : memref<2097152xf32, #tpu.memory_space<hbm>> -> memref<4096xf32, #tpu.memory_space<hbm>>
    %dma_wait3A_138 = tpu.memref_slice %arg5[%add3A_57] : memref<2097152xf32, #tpu.memory_space<hbm>> -> memref<4096xf32, #tpu.memory_space<hbm>>
    tpu.wait_dma2 semaphore(%arg12 : memref<!tpu.dma_semaphore, #tpu.memory_space<semaphore_mem>>) src(%arg11 : memref<4096xf32, #tpu.memory_space<vmem>>) dst(%dma_wait3A_138 : memref<4096xf32, #tpu.memory_space<hbm>>)
    %dma_wait3A_139 = tpu.memref_slice %arg5[%add3A_61] : memref<2097152xf32, #tpu.memory_space<hbm>> -> memref<4096xf32, #tpu.memory_space<hbm>>
    %dma_wait3A_140 = tpu.memref_slice %arg5[%add3A_61] : memref<2097152xf32, #tpu.memory_space<hbm>> -> memref<4096xf32, #tpu.memory_space<hbm>>
    tpu.wait_dma2 semaphore(%arg12 : memref<!tpu.dma_semaphore, #tpu.memory_space<semaphore_mem>>) src(%arg11 : memref<4096xf32, #tpu.memory_space<vmem>>) dst(%dma_wait3A_140 : memref<4096xf32, #tpu.memory_space<hbm>>)
    %dma_wait3A_141 = tpu.memref_slice %arg5[%add3A_65] : memref<2097152xf32, #tpu.memory_space<hbm>> -> memref<4096xf32, #tpu.memory_space<hbm>>
    %dma_wait3A_142 = tpu.memref_slice %arg5[%add3A_65] : memref<2097152xf32, #tpu.memory_space<hbm>> -> memref<4096xf32, #tpu.memory_space<hbm>>
    tpu.wait_dma2 semaphore(%arg12 : memref<!tpu.dma_semaphore, #tpu.memory_space<semaphore_mem>>) src(%arg11 : memref<4096xf32, #tpu.memory_space<vmem>>) dst(%dma_wait3A_142 : memref<4096xf32, #tpu.memory_space<hbm>>)
    %dma_wait3A_143 = tpu.memref_slice %arg5[%add3A_69] : memref<2097152xf32, #tpu.memory_space<hbm>> -> memref<4096xf32, #tpu.memory_space<hbm>>
    %dma_wait3A_144 = tpu.memref_slice %arg5[%add3A_69] : memref<2097152xf32, #tpu.memory_space<hbm>> -> memref<4096xf32, #tpu.memory_space<hbm>>
    tpu.wait_dma2 semaphore(%arg12 : memref<!tpu.dma_semaphore, #tpu.memory_space<semaphore_mem>>) src(%arg11 : memref<4096xf32, #tpu.memory_space<vmem>>) dst(%dma_wait3A_144 : memref<4096xf32, #tpu.memory_space<hbm>>)
    %dma_wait3A_145 = tpu.memref_slice %arg5[%add3A_73] : memref<2097152xf32, #tpu.memory_space<hbm>> -> memref<4096xf32, #tpu.memory_space<hbm>>
    %dma_wait3A_146 = tpu.memref_slice %arg5[%add3A_73] : memref<2097152xf32, #tpu.memory_space<hbm>> -> memref<4096xf32, #tpu.memory_space<hbm>>
    tpu.wait_dma2 semaphore(%arg12 : memref<!tpu.dma_semaphore, #tpu.memory_space<semaphore_mem>>) src(%arg11 : memref<4096xf32, #tpu.memory_space<vmem>>) dst(%dma_wait3A_146 : memref<4096xf32, #tpu.memory_space<hbm>>)
    %dma_start3A_147 = arith.constant 0 : i32
    %dma_start3A_148 = tpu.memref_slice %arg5[%dma_start3A_147] : memref<2097152xf32, #tpu.memory_space<hbm>> -> memref<2097152xf32, #tpu.memory_space<hbm>>
    tpu.enqueue_indirect_dma source(%arg10 : memref<1024xf32, #tpu.memory_space<vmem>>) target(%dma_start3A_148 : memref<2097152xf32, #tpu.memory_space<hbm>>) offsets(%arg9 : memref<1024xi32, #tpu.memory_space<vmem>>) semaphore(%arg13 : memref<!tpu.dma_semaphore, #tpu.memory_space<semaphore_mem>>)
    %dma_wait3A_149 = arith.constant 0 : i32
    %dma_wait3A_150 = tpu.memref_slice %arg5[%dma_wait3A_149] : memref<2097152xf32, #tpu.memory_space<hbm>> -> memref<2097152xf32, #tpu.memory_space<hbm>>
    tpu.wait_indirect_dma semaphore(%arg13 : memref<!tpu.dma_semaphore, #tpu.memory_space<semaphore_mem>>) src(%arg10 : memref<1024xf32, #tpu.memory_space<vmem>>) dst(%dma_wait3A_150 : memref<2097152xf32, #tpu.memory_space<hbm>>)
    return
  }
}

module attributes {stable_mosaic.version = 14 : i64} {
  func.func @_pass1_body(%arg0: i32, %arg1: memref<4096x768xf32, #tpu.memory_space<vmem>>, %arg2: memref<64x768xf32, #tpu.memory_space<vmem>>, %arg3: memref<64x1xf32, #tpu.memory_space<vmem>>, %arg4: memref<1x1x4096xf32, #tpu.memory_space<vmem>>, %arg5: memref<1x1x4096xi32, #tpu.memory_space<vmem>>, %arg6: memref<1x64xf32, #tpu.memory_space<vmem>>, %arg7: memref<64x4096xf32, #tpu.memory_space<vmem>>) attributes {dimension_semantics = [#tpu.dimension_semantics<arbitrary>], iteration_bounds = array<i64: 8>, scalar_prefetch = 0 : i64, scratch_operands = 1 : i64, tpu.core_type = #tpu.core_type<tc>, window_params = [{transform_indices = @transform_0, window_bounds = array<i64: 4096, 768>}, {pipeline_mode = #tpu.pipeline_mode<synchronous>, transform_indices = @transform_1, window_bounds = array<i64: 64, 768>}, {pipeline_mode = #tpu.pipeline_mode<synchronous>, transform_indices = @transform_2, window_bounds = array<i64: 64, 1>}, {transform_indices = @transform_3, window_bounds = array<i64: 1, 1, 4096>}, {transform_indices = @transform_4, window_bounds = array<i64: 1, 1, 4096>}, {pipeline_mode = #tpu.pipeline_mode<synchronous>, transform_indices = @transform_5, window_bounds = array<i64: 1, 64>}]} {
    %get3A = arith.constant 0 : index
    %get3A_0 = arith.constant 0 : index
    %get3A_1 = vector.load %arg2[%get3A, %get3A_0] : memref<64x768xf32, #tpu.memory_space<vmem>>, vector<64x768xf32>
    %get3A_2 = arith.constant 0 : index
    %get3A_3 = arith.constant 0 : index
    %get3A_4 = vector.load %arg1[%get3A_2, %get3A_3] : memref<4096x768xf32, #tpu.memory_space<vmem>>, vector<4096x768xf32>
    %dot_general3A = arith.constant dense<0.000000e+00> : vector<64x4096xf32>
    %dot_general3A_5 = tpu.matmul %get3A_1, %get3A_4, %dot_general3A {dimension_numbers = #tpu.dot_dimension_numbers<[1], [1], [0], [0], [0, 0, 1, 0], [], []>, transpose_lhs_hint = false} : vector<64x768xf32>, vector<4096x768xf32>, vector<64x4096xf32> -> vector<64x4096xf32>
    %get3A_6 = arith.constant 0 : index
    %get3A_7 = arith.constant 0 : index
    %get3A_8 = vector.load %arg3[%get3A_6, %get3A_7] : memref<64x1xf32, #tpu.memory_space<vmem>>, vector<64x1xf32>
    %add3A = vector.broadcast %get3A_8 : vector<64x1xf32> to vector<64x4096xf32>
    %add3A_9 = arith.addf %dot_general3A_5, %add3A : vector<64x4096xf32>
    %reduce_max3A = arith.constant dense<0xFF800000> : vector<4096xf32>
    %reduce_max3A_10 = vector.multi_reduction <maximumf>, %add3A_9, %reduce_max3A [0] : vector<64x4096xf32> to vector<4096xf32>
    %broadcast_in_dim3A = vector.shape_cast %reduce_max3A_10 : vector<4096xf32> to vector<1x4096xf32>
    %sub3A = vector.broadcast %broadcast_in_dim3A : vector<1x4096xf32> to vector<64x4096xf32>
    %sub3A_11 = arith.subf %add3A_9, %sub3A : vector<64x4096xf32>
    %exp3A = math.exp %sub3A_11 : vector<64x4096xf32>
    %reduce_sum3A = arith.constant dense<0.000000e+00> : vector<4096xf32>
    %reduce_sum3A_12 = vector.multi_reduction <add>, %exp3A, %reduce_sum3A [0] : vector<64x4096xf32> to vector<4096xf32>
    %broadcast_in_dim3A_13 = vector.shape_cast %reduce_sum3A_12 : vector<4096xf32> to vector<1x4096xf32>
    %div3A = arith.constant 1.000000e+00 : f32
    %div3A_14 = vector.broadcast %div3A : f32 to vector<1x4096xf32>
    %div3A_15 = arith.divf %div3A_14, %broadcast_in_dim3A_13 : vector<1x4096xf32>
    %iota3A = tpu.iota {dimensions = array<i32: 0>} : vector<64x4096xi32>
    %eq3A = vector.broadcast %broadcast_in_dim3A : vector<1x4096xf32> to vector<64x4096xf32>
    %eq3A_16 = arith.cmpf oeq, %add3A_9, %eq3A : vector<64x4096xf32>
    %jit3A = arith.constant 64 : i32
    %broadcast_in_dim3A_17 = vector.broadcast %jit3A : i32 to vector<64x4096xi32>
    %select_n3A = arith.select %eq3A_16, %iota3A, %broadcast_in_dim3A_17 : vector<64x4096xi1>, vector<64x4096xi32>
    %reduce_min3A = arith.constant dense<2147483647> : vector<4096xi32>
    %reduce_min3A_18 = vector.multi_reduction <minsi>, %select_n3A, %reduce_min3A [0] : vector<64x4096xi32> to vector<4096xi32>
    %broadcast_in_dim3A_19 = vector.shape_cast %reduce_min3A_18 : vector<4096xi32> to vector<1x4096xi32>
    %squeeze3A = vector.shape_cast %div3A_15 : vector<1x4096xf32> to vector<4096xf32>
    %swap3A = arith.constant 0 : index
    %swap3A_20 = arith.constant 0 : index
    %swap3A_21 = arith.constant 0 : index
    %swap3A_22 = vector.load %arg4[%swap3A, %swap3A_20, %swap3A_21] : memref<1x1x4096xf32, #tpu.memory_space<vmem>>, vector<1x1x4096xf32>
    %swap3A_23 = vector.shape_cast %swap3A_22 : vector<1x1x4096xf32> to vector<4096xf32>
    %swap3A_24 = vector.shape_cast %squeeze3A : vector<4096xf32> to vector<1x1x4096xf32>
    tpu.vector_store %arg4[%swap3A, %swap3A_20, %swap3A_21], %swap3A_24 {strides = array<i32>} : memref<1x1x4096xf32, #tpu.memory_space<vmem>>, vector<1x1x4096xf32>,
    %squeeze3A_25 = vector.shape_cast %broadcast_in_dim3A_19 : vector<1x4096xi32> to vector<4096xi32>
    %swap3A_26 = arith.constant 0 : index
    %swap3A_27 = arith.constant 0 : index
    %swap3A_28 = arith.constant 0 : index
    %swap3A_29 = vector.load %arg5[%swap3A_26, %swap3A_27, %swap3A_28] : memref<1x1x4096xi32, #tpu.memory_space<vmem>>, vector<1x1x4096xi32>
    %swap3A_30 = vector.shape_cast %swap3A_29 : vector<1x1x4096xi32> to vector<4096xi32>
    %swap3A_31 = vector.shape_cast %squeeze3A_25 : vector<4096xi32> to vector<1x1x4096xi32>
    tpu.vector_store %arg5[%swap3A_26, %swap3A_27, %swap3A_28], %swap3A_31 {strides = array<i32>} : memref<1x1x4096xi32, #tpu.memory_space<vmem>>, vector<1x1x4096xi32>,
    %eq3A_32 = vector.broadcast %broadcast_in_dim3A_19 : vector<1x4096xi32> to vector<64x4096xi32>
    %eq3A_33 = arith.cmpi eq, %iota3A, %eq3A_32 : vector<64x4096xi32>
    %jit3A_34 = arith.constant 0.000000e+00 : f32
    %broadcast_in_dim3A_35 = vector.shape_cast %div3A_15 : vector<1x4096xf32> to vector<1x4096xf32>
    %broadcast_in_dim3A_36 = vector.broadcast %broadcast_in_dim3A_35 : vector<1x4096xf32> to vector<64x4096xf32>
    %broadcast_in_dim3A_37 = vector.broadcast %jit3A_34 : f32 to vector<64x4096xf32>
    %select_n3A_38 = arith.select %eq3A_33, %broadcast_in_dim3A_36, %broadcast_in_dim3A_37 : vector<64x4096xi1>, vector<64x4096xf32>
    %eq3A_39 = arith.constant 0 : i32
    %eq3A_40 = arith.cmpi eq, %arg0, %eq3A_39 : i32
    %convert_element_type3A = arith.extui %eq3A_40 : i1 to i32
    %cond3A = arith.constant 0 : i32
    %cond3A_41 = arith.cmpi ne, %convert_element_type3A, %cond3A : i32
    scf.if %cond3A_41 {
      %broadcast_in_dim3A_54 = arith.constant 0.000000e+00 : f32
      %broadcast_in_dim3A_55 = vector.broadcast %broadcast_in_dim3A_54 : f32 to vector<64x4096xf32>
      %swap3A_56 = arith.constant 0 : index
      %swap3A_57 = arith.constant 0 : index
      %swap3A_58 = vector.load %arg7[%swap3A_56, %swap3A_57] : memref<64x4096xf32, #tpu.memory_space<vmem>>, vector<64x4096xf32>
      tpu.vector_store %arg7[%swap3A_56, %swap3A_57], %broadcast_in_dim3A_55 {strides = array<i32>} : memref<64x4096xf32, #tpu.memory_space<vmem>>, vector<64x4096xf32>,
    } else {
    }
    %get3A_42 = arith.constant 0 : index
    %get3A_43 = arith.constant 0 : index
    %get3A_44 = vector.load %arg7[%get3A_42, %get3A_43] : memref<64x4096xf32, #tpu.memory_space<vmem>>, vector<64x4096xf32>
    %add3A_45 = arith.addf %get3A_44, %select_n3A_38 : vector<64x4096xf32>
    %swap3A_46 = arith.constant 0 : index
    %swap3A_47 = arith.constant 0 : index
    %swap3A_48 = vector.load %arg7[%swap3A_46, %swap3A_47] : memref<64x4096xf32, #tpu.memory_space<vmem>>, vector<64x4096xf32>
    tpu.vector_store %arg7[%swap3A_46, %swap3A_47], %add3A_45 {strides = array<i32>} : memref<64x4096xf32, #tpu.memory_space<vmem>>, vector<64x4096xf32>,
    %eq3A_49 = arith.constant 7 : i32
    %eq3A_50 = arith.cmpi eq, %arg0, %eq3A_49 : i32
    %convert_element_type3A_51 = arith.extui %eq3A_50 : i1 to i32
    %cond3A_52 = arith.constant 0 : i32
    %cond3A_53 = arith.cmpi ne, %convert_element_type3A_51, %cond3A_52 : i32
    scf.if %cond3A_53 {
      %get3A_54 = arith.constant 0 : index
      %get3A_55 = arith.constant 0 : index
      %get3A_56 = vector.load %arg7[%get3A_54, %get3A_55] : memref<64x4096xf32, #tpu.memory_space<vmem>>, vector<64x4096xf32>
      %reduce_sum3A_57 = arith.constant dense<0.000000e+00> : vector<64xf32>
      %reduce_sum3A_58 = vector.multi_reduction <add>, %get3A_56, %reduce_sum3A_57 [1] : vector<64x4096xf32> to vector<64xf32>
      %add3A_59 = arith.constant 9.99999997E-7 : f32
      %add3A_60 = vector.broadcast %add3A_59 : f32 to vector<64xf32>
      %add3A_61 = arith.addf %reduce_sum3A_58, %add3A_60 : vector<64xf32>
      %div3A_62 = arith.constant 3.276800e+04 : f32
      %div3A_63 = vector.broadcast %div3A_62 : f32 to vector<64xf32>
      %div3A_64 = arith.divf %div3A_63, %add3A_61 : vector<64xf32>
      %swap3A_65 = arith.constant 0 : index
      %swap3A_66 = arith.constant 0 : index
      %swap3A_67 = vector.load %arg6[%swap3A_65, %swap3A_66] : memref<1x64xf32, #tpu.memory_space<vmem>>, vector<1x64xf32>
      %swap3A_68 = vector.shape_cast %swap3A_67 : vector<1x64xf32> to vector<64xf32>
      %swap3A_69 = vector.shape_cast %div3A_64 : vector<64xf32> to vector<1x64xf32>
      tpu.vector_store %arg6[%swap3A_65, %swap3A_66], %swap3A_69 {strides = array<i32>} : memref<1x64xf32, #tpu.memory_space<vmem>>, vector<1x64xf32>,
    } else {
    }
    return
  }
  func.func @transform_0(%arg0: i32) -> (i32, i32) {
    %c0_i32 = arith.constant 0 : i32
    %c0_i32_0 = arith.constant 0 : i32
    return %arg0, %c0_i32 : i32, i32
  }
  func.func @transform_1(%arg0: i32) -> (i32, i32) {
    %c0_i32 = arith.constant 0 : i32
    %c0_i32_0 = arith.constant 0 : i32
    %c0_i32_1 = arith.constant 0 : i32
    return %c0_i32, %c0_i32_0 : i32, i32
  }
  func.func @transform_2(%arg0: i32) -> (i32, i32) {
    %c0_i32 = arith.constant 0 : i32
    %c0_i32_0 = arith.constant 0 : i32
    %c0_i32_1 = arith.constant 0 : i32
    return %c0_i32, %c0_i32_0 : i32, i32
  }
  func.func @transform_3(%arg0: i32) -> (i32, i32, i32) {
    %c0_i32 = arith.constant 0 : i32
    %c0_i32_0 = arith.constant 0 : i32
    %c0_i32_1 = arith.constant 0 : i32
    return %arg0, %c0_i32, %c0_i32_0 : i32, i32, i32
  }
  func.func @transform_4(%arg0: i32) -> (i32, i32, i32) {
    %c0_i32 = arith.constant 0 : i32
    %c0_i32_0 = arith.constant 0 : i32
    %c0_i32_1 = arith.constant 0 : i32
    return %arg0, %c0_i32, %c0_i32_0 : i32, i32, i32
  }
  func.func @transform_5(%arg0: i32) -> (i32, i32) {
    %c0_i32 = arith.constant 0 : i32
    %c0_i32_0 = arith.constant 0 : i32
    %c0_i32_1 = arith.constant 0 : i32
    return %c0_i32, %c0_i32_0 : i32, i32
  }
}

</mosaic_0001>

<sc_bundles>
// kernel: kernel.4.cloned.1.call-start
scs
__scs_entry_jumppad:
0x0: {  	(pc) =	sbr.rel $0x88, $3  }
0x1: {  	(tag) =	ssettag $0x0;
	lr =	simm.s32 $0x1  }
0x2: {  	[smem:$0x3F9E] =	sst lr;
	_ =	strace $0xD0000000  }
0x3: {  	_ = 	snop  }
0x4: {  	_ = 	snop  }
0x5: {  	_ = 	snop  }
0x6: {  	_ = 	snop  }
0x7: {  	_ = 	snop  }
__scs_overlays_trampoline_lowered:
0x8: {  	[smem:$0x3FAD] =	sst s0  }
0x9: {  	[smem:$0x3FAE] =	sst s1  }
0xa: {  	[smem:$0x3FAF] =	sst s2  }
0xb: {  	[smem:$0x3FB0] =	sst s3  }
0xc: {  	[smem:$0x3FB1] =	sst s4  }
0xd: {  	[smem:$0x3FB2] =	sst s5  }
0xe: {  	[smem:$0x3FB3] =	sst s6  }
0xf: {  	[smem:$0x3FB4] =	sst s7  }
0x10: {  	[smem:$0x3FB5] =	sst s8  }
0x11: {  	[smem:$0x3FB6] =	sst s9;
	s0 =	simm.s32 @!p0 $0x0  }
0x12: {  	s1 =	sld [smem:$0x3F9C];
	s0 =	simm.s32 @p0 $0x1  }
0x13: {  	[smem:$0x3FB7] =	sst s0;
	s0 =	simm.s32 @!p1 $0x0  }
0x14: {  	s2 =	sld [smem:$0x3F9B];
	s0 =	simm.s32 @p1 $0x1  }
0x15: {  	[smem:$0x3FB8] =	sst s0;
	s0 =	simm.s32 @!p2 $0x0  }
0x16: {  	s3 =	sld [smem:$0x3FDB];
	s0 =	simm.s32 @p2 $0x1  }
0x17: {  	s4 =	simm.s32 $0x1BF5;
	[smem:$0x3FBA] =	sst s0  }
0x18: {  	s0 =	sld [smem:$0x3F9D];
	_ =	swait.ge [sflag:s4], $0x0  }
0x19: {  	s7 =	sld [smem:$0x3F9E]  }
0x1a: {  	s8 =	sadd.s32 $0xFFFFE003, lr  }
0x1b: {  	s9 =	sadd.s32 $0xFFFFFEF7, lr;
	s5 =	simm.s32 $0xFFFFFFFF;
	p2 =	slt.u32 s8, $0xFFFFF086  }
0x1c: {  	p1 =	slt.u32 s9, $0xF7A;
	s5 =	simm.s32 @!p2 $0x0  }
0x1d: {  	s5 =	simm.s32 @p1 $0x1;
	p0 =	seq.s32 s7, s2  }
0x1e: {  	s7 =	smul.u32 @!p0 $0xF7A, s2;
	p2 =	seq.s32 @!p0 s5, $0x0  }
0x1f: {  	s9 =	smul.u32 $0xF7A, s1;
	s8 =	simm.s32 @!p0 $0x1BF5;
	p2 =	por !p2, p0  }
0x20: {  	[sflag:s8] =	ssyncset.s32 @!p0 $0xFFFFF086;
	s6 =	sadd.s32 @!p0 s3, s7;
	s7 =	simm.s32 @!p0 $0x108  }
0x21: {  	s3 =	sadd.s32 s3, s9;
	s6 =	sadd.s32 @!p0 $0x88, s6;
	s7 =	simm.s32 @p2 $0x1082  }
0x22: {  	[simem:s7], [sflag:s8] =	dma.local @!p0 [hbm:s6], $0xF7A  }
0x23: {  	s9 =	sor.u32 $0xD0000000, s2;
	s6 =	simm.s32 $0x108;
	_ =	swait.ge @!p0 [sflag:s8], $0x0  }
0x24: {  	s3 =	sadd.s32 $0x88, s3;
	s6 =	simm.s32 @!p1 $0x1082;
	[sflag:s4] =	ssyncset.s32 $0xFFFFF086  }
0x25: {  	[simem:s6], [sflag:s4] =	dma.local [hbm:s3], $0xF7A  }
0x26: {  	[smem:$0x3F9E] =	sst s1;
	(tag) =	ssettag s2;
	_ =	strace s9  }
0x27: {  	s1 =	sld [smem:$0x3FAE]  }
0x28: {  	s2 =	sld [smem:$0x3FAF]  }
0x29: {  	s4 =	sld [smem:$0x3FB1]  }
0x2a: {  	p0 =	seq.s32 s5, $0x0;
	s5 =	sld [smem:$0x3FB2]  }
0x2b: {  	s6 =	sld [smem:$0x3FB3]  }
0x2c: {  	s7 =	sld [smem:$0x3FB4]  }
0x2d: {  	s3 =	simm.s32 $0x108;
	s8 =	sld [smem:$0x3FB5]  }
0x2e: {  	s3 =	simm.s32 @!p0 $0x1082;
	s9 =	sld [smem:$0x3FB6]  }
0x2f: {  	lr =	sadd.s32 s0, s3;
	s0 =	sld [smem:$0x3FAD]  }
0x30: {  	s3 =	sld [smem:$0x3FB0]  }
0x31: {  	[smem:$0x3FB9] =	sst s10  }
0x32: {  	s10 =	sld [smem:$0x3FB7];
	_ =	sdelay $0x3  }
0x33: {  	p0 =	seq.s32 s10, $0x1;
	s10 =	sld [smem:$0x3FB9];
	_ =	sdelay $0x3  }
0x34: {  	[smem:$0x3FB9] =	sst s10  }
0x35: {  	s10 =	sld [smem:$0x3FB8];
	_ =	sdelay $0x3  }
0x36: {  	p1 =	seq.s32 s10, $0x1;
	s10 =	sld [smem:$0x3FB9];
	_ =	sdelay $0x3  }
0x37: {  	[smem:$0x3FB9] =	sst s10  }
0x38: {  	s10 =	sld [smem:$0x3FBA]  }
0x39: {  	_ = 	snop;
	(pc) =	sbr.ind lr, $3  }
0x3a: {  	_ = 	snop  }
0x3b: {  	_ = 	snop  }
0x3c: {  	p2 =	seq.s32 s10, $0x1;
	s10 =	sld [smem:$0x3FB9]  }
0x3d: {  	_ =	shalt  }
0x3e: {  	_ =	shalt  }
0x3f: {  	_ =	shalt  }
0x40: {  	_ =	shalt  }
0x41: {  	_ =	shalt  }
0x42: {  	_ =	shalt  }
0x43: {  	_ =	shalt  }
0x44: {  	_ =	shalt  }
0x45: {  	_ =	shalt  }
0x46: {  	_ =	shalt  }
0x47: {  	_ =	shalt  }
0x48: {  	_ =	shalt  }
0x49: {  	_ =	shalt  }
0x4a: {  	_ =	shalt  }
0x4b: {  	_ =	shalt  }
0x4c: {  	_ =	shalt  }
0x4d: {  	_ =	shalt  }
0x4e: {  	_ =	shalt  }
0x4f: {  	_ =	shalt  }
0x50: {  	_ =	shalt  }
0x51: {  	_ =	shalt  }
0x52: {  	_ =	shalt  }
0x53: {  	_ =	shalt  }
0x54: {  	_ =	shalt  }
0x55: {  	_ =	shalt  }
0x56: {  	_ =	shalt  }
0x57: {  	_ =	shalt  }
0x58: {  	_ =	shalt  }
0x59: {  	_ =	shalt  }
0x5a: {  	_ =	shalt  }
0x5b: {  	_ =	shalt  }
0x5c: {  	_ =	shalt  }
0x5d: {  	_ =	shalt  }
0x5e: {  	_ =	shalt  }
0x5f: {  	_ =	shalt  }
0x60: {  	_ =	shalt  }
0x61: {  	_ =	shalt  }
0x62: {  	_ =	shalt  }
0x63: {  	_ =	shalt  }
0x64: {  	_ =	shalt  }
0x65: {  	_ =	shalt  }
0x66: {  	_ =	shalt  }
0x67: {  	_ =	shalt  }
0x68: {  	_ =	shalt  }
0x69: {  	_ =	shalt  }
0x6a: {  	_ =	shalt  }
0x6b: {  	_ =	shalt  }
0x6c: {  	_ =	shalt  }
0x6d: {  	_ =	shalt  }
0x6e: {  	_ =	shalt  }
0x6f: {  	_ =	shalt  }
0x70: {  	_ =	shalt  }
0x71: {  	_ =	shalt  }
0x72: {  	_ =	shalt  }
0x73: {  	_ =	shalt  }
0x74: {  	_ =	shalt  }
0x75: {  	_ =	shalt  }
0x76: {  	_ =	shalt  }
0x77: {  	_ =	shalt  }
0x78: {  	_ =	shalt  }
0x79: {  	_ =	shalt  }
0x7a: {  	_ =	shalt  }
0x7b: {  	_ =	shalt  }
0x7c: {  	_ =	shalt  }
0x7d: {  	_ =	shalt  }
0x7e: {  	_ =	shalt  }
0x7f: {  	_ =	shalt  }
0x80: {  	_ =	shalt  }
0x81: {  	_ =	shalt  }
0x82: {  	_ =	shalt  }
0x83: {  	_ =	shalt  }
0x84: {  	_ =	shalt  }
0x85: {  	_ =	shalt  }
0x86: {  	_ =	shalt  }
0x87: {  	_ =	shalt  }
.Lfunc_end0:
.L_simem_size_0:
called_computation_lowered:
.L_overlay_start_0:
0x88: {  	s2 =	sld [smem:$0x3FD9]  }
0x89: {  	s3 =	sld [smem:$0x3FFE];
	_ =	sdelay $0x1  }
0x8a: {  	s1 =	srdreg.scid  }
0x8b: {  	s0 =	sand.u32 $0x1, s1  }
0x8c: {  	s17 =	sshll.u32 s0, $0xA;
	s2 =	sadd.s32 s3, s2  }
0x8d: {  	s2 =	sadd.s32 s2, s17  }
0x8e: {  	[smem:$0x3FC5] =	sst s2  }
0x8f: {  	_ = 	snop  }
0x90: {  	s2 =	sld [smem:$0x3FD0];
	(tm) =	ssettm $0x1  }
0x91: {  	s18 =	sld [smem:$0x3FFB];
	_ =	sdelay $0x3  }
0x92: {  	_ =	strace s18  }
0x93: {  	s3 =	sld [smem:$0x3FFC];
	_ =	sdelay $0x3  }
0x94: {  	_ =	strace s3  }
0x95: {  	s3 =	sld [smem:$0x3FFD];
	_ =	sdelay $0x3  }
0x96: {  	_ =	strace s3  }
0x97: {  	_ =	strace $0x8FFFFFFF  }
0x98: {  	s19 =	sld [smem:$0x3FDB];
	_ =	sdelay $0x1  }
0x99: {  	s4 =	simm.s32 $_scs_section_size  }
0x9a: {  	s5 =	simm.s32 $_size__tile_overlayer_lowered;
	s6 =	simm.s32 $_tile_overlayer_lowered  }
0x9b: {  	s22 =	simm.s32 $0x1BFF;
	s21 =	sshll.u32 s6, $0x1;
	s3 =	sadd.s32 s4, s19  }
0x9c: {  	s7 =	simm.s32 $0x0;
	s20 =	sshll.u32 s5, $0x1;
	s5 =	sadd.s32 s21, s3  }
0x9d: {  	[timem:s7], [sflag:s22] =	dma.local [hbm:s5], s20  }
0x9e: {  	_ =	swait.ge [sflag:s22], s20  }
0x9f: {  	s4 =	ssub.s32 $0x0, s20;
	[sflag:s22] =	ssyncset.done $0x0  }
0xa0: {  	[sflag:s22] =	ssyncadd.s32 s4;
	_ =	sdelay $0x1  }
0xa1: {  	s23 =	simm.s32 $0x1B8B  }
0xa2: {  	_ =	swait.ge [sflag:s23], $0x1  }
0xa3: {  	[sflag:s23] =	ssyncset.done $0x0  }
0xa4: {  	s25 =	simm.s32 $0x1B8E;
	s24 =	sld [smem:$0x3FFE];
	[sflag:s23] =	ssyncadd.s32 $0xFFFFFFFF  }
0xa5: {  	s26 =	simm.s32 $execute0_lowered;
	[smem:$0x3FD2] =	sst s25  }
0xa6: {  	s5 =	sshll.u32 s26, $0x1;
	_ =	strace $0x80000046;
	[dreg:$0x1] =	wrdreg $0xFFFFFFFF  }
0xa7: {  	s28 =	simm.s32 $_size_execute0_lowered;
	s3 =	sadd.s32 s3, s5;
	[dreg:$0x0] =	wrdreg $0x0  }
0xa8: {  	s5 =	sshll.u32 s28, $0x1;
	[dreg:$0x2] =	wrdreg s3  }
0xa9: {  	[dreg:$0x3] =	wrdreg s5  }
0xaa: {  	[dreg:$0x4] =	wrdreg $0xC0  }
0xab: {  	_ =	task [dreg:s7], $0x5FFFF  }
0xac: {  	[dreg:$0x1] =	wrdreg $0xFFFFFFFF  }
0xad: {  	[dreg:$0x0] =	wrdreg $0x60  }
0xae: {  	[dreg:$0x2] =	wrdreg s24  }
0xaf: {  	[dreg:$0x3] =	wrdreg s2  }
0xb0: {  	[dreg:$0x4] =	wrdreg $0x9  }
0xb1: {  	_ =	task.clear_ibuf [dreg:s7], $0x5FFFF;
	_ =	strace $0x90000046  }
0xb2: {  	s29 =	simm.s32 $0x9;
	_ =	strace $0x80000048  }
0xb3: {  	_ =	swait.ge [sflag:s29], $0x1  }
0xb4: {  	[sflag:s29] =	ssyncadd.s32 $0xFFFFFFFF  }
0xb5: {  	_ =	strace $0x90000048  }
0xb6: {  	_ =	sfence  }
0xb7: {  	s30 =	sld [smem:$0x0];
	_ =	sdelay $0x2  }
0xb8: {  	s31 =	sshll.u32 s1, $0xD;
	s1 =	sshrl.u32 s1, $0x2  }
0xb9: {  	s3 =	sand.u32 $0x4000, s31;
	s1 =	sadd.s32 s1, s30  }
0xba: {  	s0 =	sor.u32 s3, s0;
	s1 =	sshll.u32 s1, $0x11  }
0xbb: {  	s0 =	sor.u32 s1, s0  }
0xbc: {  	s0 =	sadd.s32 $0x8F2B, s0  }
0xbd: {  	[sflag:s0] =	ssyncadd.remote.s32 $0x1  }
0xbe: {  	_ =	sfence.sel $0xFFFF  }
0xbf: {  	[dreg:$0x0] =	wrdreg $0xFFFFFFFF;
	(pc) =	sbr.abs _section_cstart, $3  }
0xc0: {  	[dreg:$0x1] =	wrdreg $0xFFFFFFFF  }
0xc1: {  	_ =	task.clear_ibuf [dreg:s7], $0x2FFFF;
	_ =	strace $0x9FFFFFFF  }
0xc2: {  	(tm) =	ssettm $0x7FFFFFFF  }
0xc3: {  	_ =	shalt  }
tec
execute0_lowered:
.L_overlay_start_1:
0x0: {  	(tag) =	ssettag $0x1  }
0x1: {  	s0 =	rddreg [dreg:$0x0]  }
0x2: {  	s8 =	rddreg [dreg:$0x1];
	s1 =	srdreg.scid  }
0x3: {  	s3 =	stileid.u32;
	s4 =	simm.s32 $0x0;
	s29 =	simm.s32 $0x2  }
0x4: {  	s30 =	simm.s32 $0x1400;
	s31 =	simm.s32 $0x1;
	s1 =	sand.u32 $0x1, s1  }
0x5: {  	s2 =	sshll.u32 s3, $0x1;
	[smem:$0x7FF] =	sst s4;
	s4 =	sadd.s32 $0x2E00, s0  }
0x6: {  	s28 =	sshll.u32 s3, $0x11;
	s2 =	sor.u32 s1, s2;
	_ =	strace $0x80000047  }
0x7: {  	s5 =	ssub.s32 $0x2, s1;
	s1 =	sshll.u32 s1, $0x10;
	s25 =	sshll.u32 s2, $0x7  }
0x8: {  	s6 =	sshrl.u32 s5, $0x1;
	s2 =	sshll.u32 s2, $0xD;
	s7 =	sadd.s32 s25, s0  }
0x9: {  	s26 =	ssub.s32 s5, s6;
	s5 =	sadd.s32 s8, s2;
	s0 =	sor.u32 s1, s28  }
0xa: {  	s25 =	simm.s32 $0x3;
	s2 =	simm.s32 $0x0;
	s6 =	sadd.s32 $0xE00, s7  }
0xb: {  	s7 =	sadd.s32 $0x1E00, s7;
	s8 =	sadd.s32 $0x200, s5;
	s9 =	sadd.s32 $0x400, s5  }
0xc: {  	s10 =	sadd.s32 $0x600, s5;
	s11 =	sadd.s32 $0x800, s5;
	s12 =	sadd.s32 $0xA00, s5  }
0xd: {  	s13 =	sadd.s32 $0xC00, s5;
	s14 =	sadd.s32 $0xE00, s5;
	s15 =	sadd.s32 $0x1000, s5  }
0xe: {  	s16 =	sadd.s32 $0x1200, s5;
	s17 =	sadd.s32 $0x1400, s5;
	s18 =	sadd.s32 $0x1600, s5  }
0xf: {  	v1 =	vlaneseq.u32;
	s19 =	sadd.s32 $0x1800, s5;
	s20 =	sadd.s32 $0x1A00, s5;
	s21 =	sadd.s32 $0x1C00, s5  }
0x10: {  	v0 =	vimm.f32 $0.0e+00;
	v1 =	vmul.u32 $0x40, v1;
	s22 =	sadd.s32 $0x1E00, s5;
	s23 =	smax.u32 s26, $0x1;
	s26 =	simm.s32 $0x400  }
.LBB2_1:
0x11: {  	s1 =	simm.s32 $0x0  }
0x12: {  	[tilespmem:s1], [sflag:$0x3] =	stream.linear.gather [hbm4b:s6+s1], $0x400, $0x38;
	[tilespmem:$0x2400] =	vst v63  }
0x13: {  	_ =	swait.ge [sflag:s25], $0x400  }
0x14: {  	[sflag:s25] =	ssyncset.done $0x0  }
0x15: {  	[sflag:s25] =	ssyncadd.s32 $0xFFFFFC00  }
0x16: {  	[tilespmem:s26], [sflag:$0x3] =	stream.linear.gather [hbm4b:s7+s1], $0x400, $0x38;
	[tilespmem:$0x2400] =	vst v63  }
0x17: {  	_ =	swait.ge [sflag:s25], $0x400  }
0x18: {  	[sflag:s25] =	ssyncset.done $0x0  }
0x19: {  	s28 =	simm.s32 $0x800;
	[sflag:s25] =	ssyncadd.s32 $0xFFFFFC00  }
0x1a: {  	[tilespmem:s28], [sflag:$0x2] =	stream.indirect.gather [hbm4b:s4+s26], $0x1, s26, s26, $0xb8;
	[tilespmem:$0x2400] =	vst v63  }
0x1b: {  	_ =	swait.ge [sflag:s29], $0x400  }
0x1c: {  	[sflag:s29] =	ssyncset.done $0x0  }
0x1d: {  	s1 =	simm.s32 $0x1420;
	[sflag:s29] =	ssyncadd.s32 $0xFFFFFC00  }
0x1e: {  	[tilespmem:s1+$0xFFFFFFE0] =	vst v0  }
0x1f: {  	[tilespmem:s1+$0x10] =	vst v0  }
0x20: {  	s24 =	simm.s32 $0x0;
	[tilespmem:s1+$0x0] =	vst v0  }
.LBB2_2:
0x21: {  	s24 =	sadd.s32 $0x4, s24  }
0x22: {  	[tilespmem:s1+$0xFFFFFFF0] =	vst v0;
	s1 =	sadd.s32 $0x40, s1;
	p0 =	slt.u32 s24, $0xFC  }
.Ltmp0:
0x23: {  	[tilespmem:s1+$0xFFFFFFE0] =	vst v0;
	(pc) =	sbr.rel @p0 .LBB2_2-.Ltmp0, $3  }
0x24: {  	_ =	sdelay $0x1  }
0x25: {  	[tilespmem:s1+$0x10] =	vst v0  }
0x26: {  	[tilespmem:s1+$0x0] =	vst v0  }
0x27: {  	[tilespmem:s1+$0xFFFFFFF0] =	vst v0;
	s24 =	simm.s32 $0x0  }
0x28: {  	[hbm4b:s5+s24] =	stream.linear.scatter [tilespmem:s30], [sflag:$0x1], $0x1000, $0x38;
	[tilespmem:$0x2400] =	vst v63  }
0x29: {  	_ = 	snop  }
0x2a: {  	[hbm4b:s8+s24] =	stream.linear.scatter [tilespmem:s30], [sflag:$0x1], $0x1000, $0x38;
	[tilespmem:$0x2400] =	vst v63  }
0x2b: {  	_ = 	snop  }
0x2c: {  	[hbm4b:s9+s24] =	stream.linear.scatter [tilespmem:s30], [sflag:$0x1], $0x1000, $0x38;
	[tilespmem:$0x2400] =	vst v63  }
0x2d: {  	_ = 	snop  }
0x2e: {  	[hbm4b:s10+s24] =	stream.linear.scatter [tilespmem:s30], [sflag:$0x1], $0x1000, $0x38;
	[tilespmem:$0x2400] =	vst v63  }
0x2f: {  	_ = 	snop  }
0x30: {  	[hbm4b:s11+s24] =	stream.linear.scatter [tilespmem:s30], [sflag:$0x1], $0x1000, $0x38;
	[tilespmem:$0x2400] =	vst v63  }
0x31: {  	_ = 	snop  }
0x32: {  	[hbm4b:s12+s24] =	stream.linear.scatter [tilespmem:s30], [sflag:$0x1], $0x1000, $0x38;
	[tilespmem:$0x2400] =	vst v63  }
0x33: {  	_ = 	snop  }
0x34: {  	[hbm4b:s13+s24] =	stream.linear.scatter [tilespmem:s30], [sflag:$0x1], $0x1000, $0x38;
	[tilespmem:$0x2400] =	vst v63  }
0x35: {  	_ = 	snop  }
0x36: {  	[hbm4b:s14+s24] =	stream.linear.scatter [tilespmem:s30], [sflag:$0x1], $0x1000, $0x38;
	[tilespmem:$0x2400] =	vst v63  }
0x37: {  	_ = 	snop  }
0x38: {  	[hbm4b:s15+s24] =	stream.linear.scatter [tilespmem:s30], [sflag:$0x1], $0x1000, $0x38;
	[tilespmem:$0x2400] =	vst v63  }
0x39: {  	_ = 	snop  }
0x3a: {  	[hbm4b:s16+s24] =	stream.linear.scatter [tilespmem:s30], [sflag:$0x1], $0x1000, $0x38;
	[tilespmem:$0x2400] =	vst v63  }
0x3b: {  	_ = 	snop  }
0x3c: {  	[hbm4b:s17+s24] =	stream.linear.scatter [tilespmem:s30], [sflag:$0x1], $0x1000, $0x38;
	[tilespmem:$0x2400] =	vst v63  }
0x3d: {  	_ = 	snop  }
0x3e: {  	[hbm4b:s18+s24] =	stream.linear.scatter [tilespmem:s30], [sflag:$0x1], $0x1000, $0x38;
	[tilespmem:$0x2400] =	vst v63  }
0x3f: {  	_ = 	snop  }
0x40: {  	[hbm4b:s19+s24] =	stream.linear.scatter [tilespmem:s30], [sflag:$0x1], $0x1000, $0x38;
	[tilespmem:$0x2400] =	vst v63  }
0x41: {  	_ = 	snop  }
0x42: {  	[hbm4b:s20+s24] =	stream.linear.scatter [tilespmem:s30], [sflag:$0x1], $0x1000, $0x38;
	[tilespmem:$0x2400] =	vst v63  }
0x43: {  	_ = 	snop  }
0x44: {  	[hbm4b:s21+s24] =	stream.linear.scatter [tilespmem:s30], [sflag:$0x1], $0x1000, $0x38;
	[tilespmem:$0x2400] =	vst v63  }
0x45: {  	_ = 	snop  }
0x46: {  	[hbm4b:s22+s24] =	stream.linear.scatter [tilespmem:s30], [sflag:$0x1], $0x1000, $0x38;
	[tilespmem:$0x2400] =	vst v63  }
0x47: {  	s24 =	simm.s32 $0x0  }
0x48: {  	v3 =	vld [tilespmem:s24+$0x0]  }
0x49: {  	v4 =	vld [tilespmem:s24+$0x800]  }
0x4a: {  	v5 =	vld [tilespmem:s24+$0x400];
	_ =	sdelay $0x2  }
0x4b: {  	s28 =	simm.s32 $0x10  }
0x4c: {  	v2 =	vld [tilespmem:s28+$0x0];
	v6 =	vmul.f32 v4, v3  }
0x4d: {  	v4 =	vld [tilespmem:s28+$0x800];
	v5 =	vadd.s32 s0, v5  }
0x4e: {  	v3 =	vld [tilespmem:s28+$0x400];
	v5 =	vadd.s32 v1, v5;
	[tilespmem:s24+$0x1000] =	vst v6  }
0x4f: {  	s1 =	simm.s32 $0x80;
	[tilespmem:s24+$0xC00] =	vst v5;
	s24 =	smov.u32 s0  }
.LBB2_4:
0x50: {  	p0 =	sne.s32 s1, $0xFC0  }
.Ltmp1:
0x51: {  	s3 =	sshra.s32 s1, $0x2;
	(pc) =	sbr.rel @p0 .LBB2_4-.Ltmp1, $4  }
0x52: {  	s1 =	sadd.s32 $0x40, s1;
	s24 =	sadd.s32 $0x400, s24;
	v5 =	vmul.f32 v4, v2;
	v2 =	vld [tilespmem:s3+$0x0]  }
0x53: {  	v4 =	vld [tilespmem:s3+$0x800];
	v6 =	vadd.s32 s24, v3  }
0x54: {  	v3 =	vld [tilespmem:s3+$0x400];
	v6 =	vadd.s32 v1, v6;
	[tilespmem:s28+$0x1000] =	vst v5  }
0x55: {  	[tilespmem:s28+$0xC00] =	vst v6;
	s28 =	smov.u32 s3  }
0x56: {  	_ =	sdelay $0x1  }
0x57: {  	s1 =	sadd.s32 $0x400, s24;
	v2 =	vmul.f32 v4, v2  }
0x58: {  	v3 =	vadd.s32 s1, v3  }
0x59: {  	v3 =	vadd.s32 v1, v3;
	[tilespmem:s28+$0x1000] =	vst v2  }
0x5a: {  	[tilespmem:s28+$0xC00] =	vst v3  }
0x5b: {  	_ =	swait.ge [sflag:s31], $0x1000  }
0x5c: {  	[sflag:s31] =	ssyncset.done $0x0  }
0x5d: {  	[sflag:s31] =	ssyncadd.s32 $0xFFFFF000  }
0x5e: {  	_ =	swait.ge [sflag:s31], $0x1000  }
0x5f: {  	[sflag:s31] =	ssyncset.done $0x0  }
0x60: {  	[sflag:s31] =	ssyncadd.s32 $0xFFFFF000  }
0x61: {  	_ =	swait.ge [sflag:s31], $0x1000  }
0x62: {  	[sflag:s31] =	ssyncset.done $0x0  }
0x63: {  	[sflag:s31] =	ssyncadd.s32 $0xFFFFF000  }
0x64: {  	_ =	swait.ge [sflag:s31], $0x1000  }
0x65: {  	[sflag:s31] =	ssyncset.done $0x0  }
0x66: {  	[sflag:s31] =	ssyncadd.s32 $0xFFFFF000  }
0x67: {  	_ =	swait.ge [sflag:s31], $0x1000  }
0x68: {  	[sflag:s31] =	ssyncset.done $0x0  }
0x69: {  	[sflag:s31] =	ssyncadd.s32 $0xFFFFF000  }
0x6a: {  	_ =	swait.ge [sflag:s31], $0x1000  }
0x6b: {  	[sflag:s31] =	ssyncset.done $0x0  }
0x6c: {  	[sflag:s31] =	ssyncadd.s32 $0xFFFFF000  }
0x6d: {  	_ =	swait.ge [sflag:s31], $0x1000  }
0x6e: {  	[sflag:s31] =	ssyncset.done $0x0  }
0x6f: {  	[sflag:s31] =	ssyncadd.s32 $0xFFFFF000  }
0x70: {  	_ =	swait.ge [sflag:s31], $0x1000  }
0x71: {  	[sflag:s31] =	ssyncset.done $0x0  }
0x72: {  	[sflag:s31] =	ssyncadd.s32 $0xFFFFF000  }
0x73: {  	_ =	swait.ge [sflag:s31], $0x1000  }
0x74: {  	[sflag:s31] =	ssyncset.done $0x0  }
0x75: {  	[sflag:s31] =	ssyncadd.s32 $0xFFFFF000  }
0x76: {  	_ =	swait.ge [sflag:s31], $0x1000  }
0x77: {  	[sflag:s31] =	ssyncset.done $0x0  }
0x78: {  	[sflag:s31] =	ssyncadd.s32 $0xFFFFF000  }
0x79: {  	_ =	swait.ge [sflag:s31], $0x1000  }
0x7a: {  	[sflag:s31] =	ssyncset.done $0x0  }
0x7b: {  	[sflag:s31] =	ssyncadd.s32 $0xFFFFF000  }
0x7c: {  	_ =	swait.ge [sflag:s31], $0x1000  }
0x7d: {  	[sflag:s31] =	ssyncset.done $0x0  }
0x7e: {  	[sflag:s31] =	ssyncadd.s32 $0xFFFFF000  }
0x7f: {  	_ =	swait.ge [sflag:s31], $0x1000  }
0x80: {  	[sflag:s31] =	ssyncset.done $0x0  }
0x81: {  	[sflag:s31] =	ssyncadd.s32 $0xFFFFF000  }
0x82: {  	_ =	swait.ge [sflag:s31], $0x1000  }
0x83: {  	[sflag:s31] =	ssyncset.done $0x0  }
0x84: {  	[sflag:s31] =	ssyncadd.s32 $0xFFFFF000  }
0x85: {  	_ =	swait.ge [sflag:s31], $0x1000  }
0x86: {  	[sflag:s31] =	ssyncset.done $0x0  }
0x87: {  	[sflag:s31] =	ssyncadd.s32 $0xFFFFF000  }
0x88: {  	_ =	swait.ge [sflag:s31], $0x1000  }
0x89: {  	s2 =	sadd.s32 $0x1, s2;
	[sflag:s31] =	ssyncset.done $0x0  }
0x8a: {  	s3 =	simm.s32 $0xC00;
	p0 =	sne.s32 s2, s23;
	[sflag:s31] =	ssyncadd.s32 $0xFFFFF000  }
.Ltmp2:
0x8b: {  	s28 =	simm.s32 $0x1000;
	s24 =	rddreg [dreg:$0x1];
	(pc) =	sbr.rel @p0 .LBB2_1-.Ltmp2, $4  }
0x8c: {  	[hbm4b:s24+s26] =	stream.indirect.scatter [tilespmem:s28], [sflag:$0x2], $0x1, s3, s26, $0xb8;
	[tilespmem:$0x2400] =	vst v63  }
0x8d: {  	_ =	swait.ge [sflag:s29], $0x400  }
0x8e: {  	[sflag:s29] =	ssyncset.done $0x0  }
0x8f: {  	[sflag:s29] =	ssyncadd.s32 $0xFFFFFC00  }
0x90: {  	_ =	sfence.sel $0x180000  }
0x91: {  	[bflag:$0x0] =	sbarrier.arrive $0xFFFF  }
0x92: {  	_ =	strace $0x90000047  }
0x93: {  	s0 =	stileid.u32;
	[bflag:$0x2] =	sbarrier.arrive $0xFFFF  }
0x94: {  	p0 =	sne.s32 s0, $0x0;
	s0 =	rddreg [dreg:$0x2]  }
0x95: {  	s0 =	sadd.s32 @!p0 $0x100000, s0  }
0x96: {  	[sflag:s0] =	ssyncadd.tile.s32 @!p0 $0x1;
	_ =	shalt  }
.Lfunc_end2:
_tile_overlayer_lowered:
.L_overlay_start_2:
0x97: {  	(tag) =	ssettag $0x2  }
0x98: {  	s0 =	rddreg [dreg:$0x0];
	s2 =	stileid.u32  }
0x99: {  	s1 =	rddreg [dreg:$0x1];
	p0 =	sne.s32 s2, $0x0  }
0x9a: {  	s3 =	rddreg [dreg:$0x2];
	[bflag:$0x3] =	sbarrier.arrive $0xFFFF;
	s2 =	simm.s32 @!p0 $0x1C03  }
0x9b: {  	[timem:s3], [sflag:s2] =	dma.local @!p0 [hbm:s0], s1  }
0x9c: {  	s0 =	simm.s32 @!p0 $0x3  }
0x9d: {  	_ =	swait.ge @!p0 [sflag:s0], s1  }
0x9e: {  	s1 =	ssub.s32 @!p0 $0x0, s1;
	[sflag:s0] =	ssyncset.done @!p0 $0x0  }
0x9f: {  	[sflag:s0] =	ssyncadd.s32 @!p0 s1  }
0xa0: {  	[bflag:$0x3] =	sbarrier.arrive $0xFFFF  }
0xa1: {  	_ =	shalt  }

</sc_bundles>
